<compile_context>
chip_gen: v7x
topology: tpu7x:2x2x1
jax: 0.10.2.dev20260603
libtpu: 0.0.44.dev20260713+nightly
codegen_flags: <defaults>
</compile_context>

<pallas_src>
import functools

import jax
import jax.numpy as jnp
from jax import lax
from jax.experimental import pallas as pl
from jax.experimental.pallas import tpu as pltpu
from jax.experimental.pallas import tpu_sc as plsc

NUM_CLASSES = 1000
HIDDEN = 1024
BATCH = 4096

NC = 2
NS = 16
NW = NC * NS
B_PER_W = BATCH // NW
CHUNK = 32
NCHUNKS = B_PER_W // CHUNK
NBUF = 3


def _make_kernel():
  mesh = plsc.VectorSubcoreMesh(
      core_axis_name="c", subcore_axis_name="s", num_cores=NC,
      num_subcores=NS)

  @functools.partial(
      pl.kernel,
      out_type=jax.ShapeDtypeStruct((BATCH, HIDDEN), jnp.float32),
      mesh=mesh,
      scratch_types=[
          pltpu.VMEM((B_PER_W,), jnp.int32),
          [pltpu.VMEM((CHUNK, HIDDEN), jnp.float32) for _ in range(NBUF)],
          pltpu.SemaphoreType.DMA,
          pltpu.SemaphoreType.DMA,
          pltpu.SemaphoreType.DMA,
      ],
  )
  def gather_kernel(idx_hbm, table_hbm, out_hbm, idx_v, bufs, sem_g, sem_o,
                    sem_i):
    wid = lax.axis_index("s") * NC + lax.axis_index("c")
    base = wid * B_PER_W
    first = pltpu.async_copy(
        idx_hbm.at[pl.ds(base, CHUNK)], idx_v.at[pl.ds(0, CHUNK)], sem_i)
    rest = pltpu.async_copy(
        idx_hbm.at[pl.ds(base + CHUNK, B_PER_W - CHUNK)],
        idx_v.at[pl.ds(CHUNK, B_PER_W - CHUNK)], sem_i)
    first.wait()

    gathers = [None] * NCHUNKS
    outs = [None] * NCHUNKS

    def fire_gather(g):
      gathers[g] = pltpu.async_copy(
          table_hbm.at[idx_v.at[pl.ds(g * CHUNK, CHUNK)]], bufs[g % NBUF],
          sem_g)

    def fire_out(g):
      outs[g] = pltpu.async_copy(
          bufs[g % NBUF], out_hbm.at[pl.ds(base + g * CHUNK, CHUNK)], sem_o)

    fire_gather(0)
    rest.wait()
    for g in range(1, min(NBUF, NCHUNKS)):
      fire_gather(g)
    for g in range(NCHUNKS):
      gathers[g].wait()
      fire_out(g)
      nxt = g + NBUF
      if nxt < NCHUNKS:
        outs[nxt - NBUF].wait()
        fire_gather(nxt)
    for g in range(max(0, NCHUNKS - NBUF), NCHUNKS):
      outs[g].wait()

  return gather_kernel


_gather = _make_kernel()


@jax.jit
def kernel(labels, table):
  return _gather(labels.astype(jnp.int32), table)

# --- scband reference (transcript-rebuilt; emitter-appended) ---
"""Pipeline reference for scband-label-embed-15264313770183 (READ-ONLY COPY).

The authoritative reference and input builder live on the scoring server;
editing this copy changes nothing except your own understanding.
"""

import jax, jax.numpy as jnp
import numpy as np

NUM_CLASSES = 1000
HIDDEN = 1024
BATCH = 4096


def setup_inputs(seed: int = 0) -> dict:
    key = jax.random.key(seed)
    k1, k2 = jax.random.split(key)
    labels = jax.random.randint(k1, (BATCH,), 0, NUM_CLASSES, dtype=jnp.int64 if jax.config.read('jax_enable_x64') else jnp.int32)
    # Embedding table has num_classes + 1 rows (extra row for CFG null class)
    table = jax.random.normal(k2, (NUM_CLASSES + 1, HIDDEN), dtype=jnp.float32)
    return {"labels": labels, "table": table}


def reference(labels, table):
    # Eval mode: no token dropout, plain embedding lookup
    embeddings = jnp.take(table, labels, axis=0)
    return embeddings

if __name__ == "__main__":
    import jax
    _d = setup_inputs()
    print(jax.jit(kernel)(*tuple(_d.values())))

</pallas_src>

<mosaic_0001>
#map = affine_map<(d0, d1) -> (0)>
#map1 = affine_map<(d0, d1) -> (0, 0)>
module attributes {stable_mosaic.version = 14 : i64} {
  func.func @gather_kernel(%arg0: i32, %arg1: i32, %arg2: memref<4096xi32, #tpu.memory_space<hbm>>, %arg3: memref<1001x1024xf32, #tpu.memory_space<hbm>>, %arg4: memref<4096x1024xf32, #tpu.memory_space<hbm>>, %arg5: memref<128xi32, #tpu.memory_space<vmem>>, %arg6: memref<32x1024xf32, #tpu.memory_space<vmem>>, %arg7: memref<32x1024xf32, #tpu.memory_space<vmem>>, %arg8: memref<32x1024xf32, #tpu.memory_space<vmem>>, %arg9: memref<!tpu.dma_semaphore, #tpu.memory_space<semaphore_mem>>, %arg10: memref<!tpu.dma_semaphore, #tpu.memory_space<semaphore_mem>>, %arg11: memref<!tpu.dma_semaphore, #tpu.memory_space<semaphore_mem>>) attributes {dimension_semantics = [#tpu.dimension_semantics<core_parallel>, #tpu.dimension_semantics<subcore_parallel>], iteration_bounds = array<i64: 2, 16>, scalar_prefetch = 0 : i64, scratch_operands = 7 : i64, tpu.core_type = #tpu.core_type<sc_vector_subcore>, window_params = [{transform_indices = #map}, {transform_indices = #map1}, {transform_indices = #map1}]} {
    %mul3A = arith.constant 2 : i32
    %mul3A_0 = arith.muli %arg1, %mul3A : i32
    %add3A = arith.addi %mul3A_0, %arg0 : i32
    %mul3A_1 = arith.constant 128 : i32
    %mul3A_2 = arith.muli %add3A, %mul3A_1 : i32
    %dma_start3A = arith.constant 0 : i32
    %dma_start3A_3 = tpu.memref_slice %arg5[%dma_start3A] : memref<128xi32, #tpu.memory_space<vmem>> -> memref<32xi32, #tpu.memory_space<vmem>>
    %dma_start3A_4 = tpu.memref_slice %arg2[%mul3A_2] : memref<4096xi32, #tpu.memory_space<hbm>> -> memref<32xi32, #tpu.memory_space<hbm>>
    %dma_start3A_5 = arith.constant 0 : i32
    %dma_start3A_6 = tpu.memref_slice %arg5[%dma_start3A_5] : memref<128xi32, #tpu.memory_space<vmem>> -> memref<32xi32, #tpu.memory_space<vmem>>
    %dma_start3A_7 = tpu.memref_slice %arg2[%mul3A_2] : memref<4096xi32, #tpu.memory_space<hbm>> -> memref<32xi32, #tpu.memory_space<hbm>>
    tpu.enqueue_dma source(%dma_start3A_7 : memref<32xi32, #tpu.memory_space<hbm>>) target(%dma_start3A_6 : memref<32xi32, #tpu.memory_space<vmem>>) target_semaphore(%arg11 : memref<!tpu.dma_semaphore, #tpu.memory_space<semaphore_mem>>)
    %add3A_8 = arith.constant 32 : i32
    %add3A_9 = arith.addi %mul3A_2, %add3A_8 : i32
    %dma_start3A_10 = arith.constant 32 : i32
    %dma_start3A_11 = tpu.memref_slice %arg5[%dma_start3A_10] : memref<128xi32, #tpu.memory_space<vmem>> -> memref<96xi32, #tpu.memory_space<vmem>>
    %dma_start3A_12 = tpu.memref_slice %arg2[%add3A_9] : memref<4096xi32, #tpu.memory_space<hbm>> -> memref<96xi32, #tpu.memory_space<hbm>>
    %dma_start3A_13 = arith.constant 32 : i32
    %dma_start3A_14 = tpu.memref_slice %arg5[%dma_start3A_13] : memref<128xi32, #tpu.memory_space<vmem>> -> memref<96xi32, #tpu.memory_space<vmem>>
    %dma_start3A_15 = tpu.memref_slice %arg2[%add3A_9] : memref<4096xi32, #tpu.memory_space<hbm>> -> memref<96xi32, #tpu.memory_space<hbm>>
    tpu.enqueue_dma source(%dma_start3A_15 : memref<96xi32, #tpu.memory_space<hbm>>) target(%dma_start3A_14 : memref<96xi32, #tpu.memory_space<vmem>>) target_semaphore(%arg11 : memref<!tpu.dma_semaphore, #tpu.memory_space<semaphore_mem>>)
    %dma_wait3A = arith.constant 0 : i32
    %dma_wait3A_16 = tpu.memref_slice %arg5[%dma_wait3A] : memref<128xi32, #tpu.memory_space<vmem>> -> memref<32xi32, #tpu.memory_space<vmem>>
    %dma_wait3A_17 = tpu.memref_slice %arg2[%mul3A_2] : memref<4096xi32, #tpu.memory_space<hbm>> -> memref<32xi32, #tpu.memory_space<hbm>>
    %dma_wait3A_18 = arith.constant 0 : i32
    %dma_wait3A_19 = tpu.memref_slice %arg5[%dma_wait3A_18] : memref<128xi32, #tpu.memory_space<vmem>> -> memref<32xi32, #tpu.memory_space<vmem>>
    %dma_wait3A_20 = tpu.memref_slice %arg2[%mul3A_2] : memref<4096xi32, #tpu.memory_space<hbm>> -> memref<32xi32, #tpu.memory_space<hbm>>
    tpu.wait_dma2 semaphore(%arg11 : memref<!tpu.dma_semaphore, #tpu.memory_space<semaphore_mem>>) src(%dma_wait3A_20 : memref<32xi32, #tpu.memory_space<hbm>>) dst(%dma_wait3A_19 : memref<32xi32, #tpu.memory_space<vmem>>)
    %dma_start3A_21 = arith.constant 0 : i32
    %dma_start3A_22 = tpu.memref_slice %arg5[%dma_start3A_21] : memref<128xi32, #tpu.memory_space<vmem>> -> memref<32xi32, #tpu.memory_space<vmem>>
    %dma_start3A_23 = arith.constant 0 : i32
    %dma_start3A_24 = arith.constant 0 : i32
    %dma_start3A_25 = tpu.memref_slice %arg3[%dma_start3A_23, %dma_start3A_24] : memref<1001x1024xf32, #tpu.memory_space<hbm>> -> memref<1001x1024xf32, #tpu.memory_space<hbm>>
    tpu.enqueue_indirect_dma source(%dma_start3A_25 : memref<1001x1024xf32, #tpu.memory_space<hbm>>) target(%arg6 : memref<32x1024xf32, #tpu.memory_space<vmem>>) offsets(%dma_start3A_22 : memref<32xi32, #tpu.memory_space<vmem>>) semaphore(%arg9 : memref<!tpu.dma_semaphore, #tpu.memory_space<semaphore_mem>>)
    %dma_wait3A_26 = arith.constant 32 : i32
    %dma_wait3A_27 = tpu.memref_slice %arg5[%dma_wait3A_26] : memref<128xi32, #tpu.memory_space<vmem>> -> memref<96xi32, #tpu.memory_space<vmem>>
    %dma_wait3A_28 = tpu.memref_slice %arg2[%add3A_9] : memref<4096xi32, #tpu.memory_space<hbm>> -> memref<96xi32, #tpu.memory_space<hbm>>
    %dma_wait3A_29 = arith.constant 32 : i32
    %dma_wait3A_30 = tpu.memref_slice %arg5[%dma_wait3A_29] : memref<128xi32, #tpu.memory_space<vmem>> -> memref<96xi32, #tpu.memory_space<vmem>>
    %dma_wait3A_31 = tpu.memref_slice %arg2[%add3A_9] : memref<4096xi32, #tpu.memory_space<hbm>> -> memref<96xi32, #tpu.memory_space<hbm>>
    tpu.wait_dma2 semaphore(%arg11 : memref<!tpu.dma_semaphore, #tpu.memory_space<semaphore_mem>>) src(%dma_wait3A_31 : memref<96xi32, #tpu.memory_space<hbm>>) dst(%dma_wait3A_30 : memref<96xi32, #tpu.memory_space<vmem>>)
    %dma_start3A_32 = arith.constant 32 : i32
    %dma_start3A_33 = tpu.memref_slice %arg5[%dma_start3A_32] : memref<128xi32, #tpu.memory_space<vmem>> -> memref<32xi32, #tpu.memory_space<vmem>>
    %dma_start3A_34 = arith.constant 0 : i32
    %dma_start3A_35 = arith.constant 0 : i32
    %dma_start3A_36 = tpu.memref_slice %arg3[%dma_start3A_34, %dma_start3A_35] : memref<1001x1024xf32, #tpu.memory_space<hbm>> -> memref<1001x1024xf32, #tpu.memory_space<hbm>>
    tpu.enqueue_indirect_dma source(%dma_start3A_36 : memref<1001x1024xf32, #tpu.memory_space<hbm>>) target(%arg7 : memref<32x1024xf32, #tpu.memory_space<vmem>>) offsets(%dma_start3A_33 : memref<32xi32, #tpu.memory_space<vmem>>) semaphore(%arg9 : memref<!tpu.dma_semaphore, #tpu.memory_space<semaphore_mem>>)
    %dma_start3A_37 = arith.constant 64 : i32
    %dma_start3A_38 = tpu.memref_slice %arg5[%dma_start3A_37] : memref<128xi32, #tpu.memory_space<vmem>> -> memref<32xi32, #tpu.memory_space<vmem>>
    %dma_start3A_39 = arith.constant 0 : i32
    %dma_start3A_40 = arith.constant 0 : i32
    %dma_start3A_41 = tpu.memref_slice %arg3[%dma_start3A_39, %dma_start3A_40] : memref<1001x1024xf32, #tpu.memory_space<hbm>> -> memref<1001x1024xf32, #tpu.memory_space<hbm>>
    tpu.enqueue_indirect_dma source(%dma_start3A_41 : memref<1001x1024xf32, #tpu.memory_space<hbm>>) target(%arg8 : memref<32x1024xf32, #tpu.memory_space<vmem>>) offsets(%dma_start3A_38 : memref<32xi32, #tpu.memory_space<vmem>>) semaphore(%arg9 : memref<!tpu.dma_semaphore, #tpu.memory_space<semaphore_mem>>)
    %dma_wait3A_42 = arith.constant 0 : i32
    %dma_wait3A_43 = tpu.memref_slice %arg5[%dma_wait3A_42] : memref<128xi32, #tpu.memory_space<vmem>> -> memref<32xi32, #tpu.memory_space<vmem>>
    %dma_wait3A_44 = arith.constant 0 : i32
    %dma_wait3A_45 = arith.constant 0 : i32
    %dma_wait3A_46 = tpu.memref_slice %arg3[%dma_wait3A_44, %dma_wait3A_45] : memref<1001x1024xf32, #tpu.memory_space<hbm>> -> memref<1001x1024xf32, #tpu.memory_space<hbm>>
    tpu.wait_indirect_dma semaphore(%arg9 : memref<!tpu.dma_semaphore, #tpu.memory_space<semaphore_mem>>) src(%dma_wait3A_46 : memref<1001x1024xf32, #tpu.memory_space<hbm>>) dst(%arg6 : memref<32x1024xf32, #tpu.memory_space<vmem>>)
    %add3A_47 = arith.constant 0 : i32
    %add3A_48 = arith.addi %mul3A_2, %add3A_47 : i32
    %dma_start3A_49 = arith.constant 0 : i32
    %dma_start3A_50 = tpu.memref_slice %arg4[%add3A_48, %dma_start3A_49] : memref<4096x1024xf32, #tpu.memory_space<hbm>> -> memref<32x1024xf32, #tpu.memory_space<hbm>>
    %dma_start3A_51 = arith.constant 0 : i32
    %dma_start3A_52 = tpu.memref_slice %arg4[%add3A_48, %dma_start3A_51] : memref<4096x1024xf32, #tpu.memory_space<hbm>> -> memref<32x1024xf32, #tpu.memory_space<hbm>>
    tpu.enqueue_dma source(%arg6 : memref<32x1024xf32, #tpu.memory_space<vmem>>) target(%dma_start3A_52 : memref<32x1024xf32, #tpu.memory_space<hbm>>) target_semaphore(%arg10 : memref<!tpu.dma_semaphore, #tpu.memory_space<semaphore_mem>>)
    %dma_wait3A_53 = arith.constant 0 : i32
    %dma_wait3A_54 = tpu.memref_slice %arg4[%add3A_48, %dma_wait3A_53] : memref<4096x1024xf32, #tpu.memory_space<hbm>> -> memref<32x1024xf32, #tpu.memory_space<hbm>>
    %dma_wait3A_55 = arith.constant 0 : i32
    %dma_wait3A_56 = tpu.memref_slice %arg4[%add3A_48, %dma_wait3A_55] : memref<4096x1024xf32, #tpu.memory_space<hbm>> -> memref<32x1024xf32, #tpu.memory_space<hbm>>
    tpu.wait_dma2 semaphore(%arg10 : memref<!tpu.dma_semaphore, #tpu.memory_space<semaphore_mem>>) src(%arg6 : memref<32x1024xf32, #tpu.memory_space<vmem>>) dst(%dma_wait3A_56 : memref<32x1024xf32, #tpu.memory_space<hbm>>)
    %dma_start3A_57 = arith.constant 96 : i32
    %dma_start3A_58 = tpu.memref_slice %arg5[%dma_start3A_57] : memref<128xi32, #tpu.memory_space<vmem>> -> memref<32xi32, #tpu.memory_space<vmem>>
    %dma_start3A_59 = arith.constant 0 : i32
    %dma_start3A_60 = arith.constant 0 : i32
    %dma_start3A_61 = tpu.memref_slice %arg3[%dma_start3A_59, %dma_start3A_60] : memref<1001x1024xf32, #tpu.memory_space<hbm>> -> memref<1001x1024xf32, #tpu.memory_space<hbm>>
    tpu.enqueue_indirect_dma source(%dma_start3A_61 : memref<1001x1024xf32, #tpu.memory_space<hbm>>) target(%arg6 : memref<32x1024xf32, #tpu.memory_space<vmem>>) offsets(%dma_start3A_58 : memref<32xi32, #tpu.memory_space<vmem>>) semaphore(%arg9 : memref<!tpu.dma_semaphore, #tpu.memory_space<semaphore_mem>>)
    %dma_wait3A_62 = arith.constant 32 : i32
    %dma_wait3A_63 = tpu.memref_slice %arg5[%dma_wait3A_62] : memref<128xi32, #tpu.memory_space<vmem>> -> memref<32xi32, #tpu.memory_space<vmem>>
    %dma_wait3A_64 = arith.constant 0 : i32
    %dma_wait3A_65 = arith.constant 0 : i32
    %dma_wait3A_66 = tpu.memref_slice %arg3[%dma_wait3A_64, %dma_wait3A_65] : memref<1001x1024xf32, #tpu.memory_space<hbm>> -> memref<1001x1024xf32, #tpu.memory_space<hbm>>
    tpu.wait_indirect_dma semaphore(%arg9 : memref<!tpu.dma_semaphore, #tpu.memory_space<semaphore_mem>>) src(%dma_wait3A_66 : memref<1001x1024xf32, #tpu.memory_space<hbm>>) dst(%arg7 : memref<32x1024xf32, #tpu.memory_space<vmem>>)
    %add3A_67 = arith.constant 32 : i32
    %add3A_68 = arith.addi %mul3A_2, %add3A_67 : i32
    %dma_start3A_69 = arith.constant 0 : i32
    %dma_start3A_70 = tpu.memref_slice %arg4[%add3A_68, %dma_start3A_69] : memref<4096x1024xf32, #tpu.memory_space<hbm>> -> memref<32x1024xf32, #tpu.memory_space<hbm>>
    %dma_start3A_71 = arith.constant 0 : i32
    %dma_start3A_72 = tpu.memref_slice %arg4[%add3A_68, %dma_start3A_71] : memref<4096x1024xf32, #tpu.memory_space<hbm>> -> memref<32x1024xf32, #tpu.memory_space<hbm>>
    tpu.enqueue_dma source(%arg7 : memref<32x1024xf32, #tpu.memory_space<vmem>>) target(%dma_start3A_72 : memref<32x1024xf32, #tpu.memory_space<hbm>>) target_semaphore(%arg10 : memref<!tpu.dma_semaphore, #tpu.memory_space<semaphore_mem>>)
    %dma_wait3A_73 = arith.constant 64 : i32
    %dma_wait3A_74 = tpu.memref_slice %arg5[%dma_wait3A_73] : memref<128xi32, #tpu.memory_space<vmem>> -> memref<32xi32, #tpu.memory_space<vmem>>
    %dma_wait3A_75 = arith.constant 0 : i32
    %dma_wait3A_76 = arith.constant 0 : i32
    %dma_wait3A_77 = tpu.memref_slice %arg3[%dma_wait3A_75, %dma_wait3A_76] : memref<1001x1024xf32, #tpu.memory_space<hbm>> -> memref<1001x1024xf32, #tpu.memory_space<hbm>>
    tpu.wait_indirect_dma semaphore(%arg9 : memref<!tpu.dma_semaphore, #tpu.memory_space<semaphore_mem>>) src(%dma_wait3A_77 : memref<1001x1024xf32, #tpu.memory_space<hbm>>) dst(%arg8 : memref<32x1024xf32, #tpu.memory_space<vmem>>)
    %add3A_78 = arith.constant 64 : i32
    %add3A_79 = arith.addi %mul3A_2, %add3A_78 : i32
    %dma_start3A_80 = arith.constant 0 : i32
    %dma_start3A_81 = tpu.memref_slice %arg4[%add3A_79, %dma_start3A_80] : memref<4096x1024xf32, #tpu.memory_space<hbm>> -> memref<32x1024xf32, #tpu.memory_space<hbm>>
    %dma_start3A_82 = arith.constant 0 : i32
    %dma_start3A_83 = tpu.memref_slice %arg4[%add3A_79, %dma_start3A_82] : memref<4096x1024xf32, #tpu.memory_space<hbm>> -> memref<32x1024xf32, #tpu.memory_space<hbm>>
    tpu.enqueue_dma source(%arg8 : memref<32x1024xf32, #tpu.memory_space<vmem>>) target(%dma_start3A_83 : memref<32x1024xf32, #tpu.memory_space<hbm>>) target_semaphore(%arg10 : memref<!tpu.dma_semaphore, #tpu.memory_space<semaphore_mem>>)
    %dma_wait3A_84 = arith.constant 96 : i32
    %dma_wait3A_85 = tpu.memref_slice %arg5[%dma_wait3A_84] : memref<128xi32, #tpu.memory_space<vmem>> -> memref<32xi32, #tpu.memory_space<vmem>>
    %dma_wait3A_86 = arith.constant 0 : i32
    %dma_wait3A_87 = arith.constant 0 : i32
    %dma_wait3A_88 = tpu.memref_slice %arg3[%dma_wait3A_86, %dma_wait3A_87] : memref<1001x1024xf32, #tpu.memory_space<hbm>> -> memref<1001x1024xf32, #tpu.memory_space<hbm>>
    tpu.wait_indirect_dma semaphore(%arg9 : memref<!tpu.dma_semaphore, #tpu.memory_space<semaphore_mem>>) src(%dma_wait3A_88 : memref<1001x1024xf32, #tpu.memory_space<hbm>>) dst(%arg6 : memref<32x1024xf32, #tpu.memory_space<vmem>>)
    %add3A_89 = arith.constant 96 : i32
    %add3A_90 = arith.addi %mul3A_2, %add3A_89 : i32
    %dma_start3A_91 = arith.constant 0 : i32
    %dma_start3A_92 = tpu.memref_slice %arg4[%add3A_90, %dma_start3A_91] : memref<4096x1024xf32, #tpu.memory_space<hbm>> -> memref<32x1024xf32, #tpu.memory_space<hbm>>
    %dma_start3A_93 = arith.constant 0 : i32
    %dma_start3A_94 = tpu.memref_slice %arg4[%add3A_90, %dma_start3A_93] : memref<4096x1024xf32, #tpu.memory_space<hbm>> -> memref<32x1024xf32, #tpu.memory_space<hbm>>
    tpu.enqueue_dma source(%arg6 : memref<32x1024xf32, #tpu.memory_space<vmem>>) target(%dma_start3A_94 : memref<32x1024xf32, #tpu.memory_space<hbm>>) target_semaphore(%arg10 : memref<!tpu.dma_semaphore, #tpu.memory_space<semaphore_mem>>)
    %dma_wait3A_95 = arith.constant 0 : i32
    %dma_wait3A_96 = tpu.memref_slice %arg4[%add3A_68, %dma_wait3A_95] : memref<4096x1024xf32, #tpu.memory_space<hbm>> -> memref<32x1024xf32, #tpu.memory_space<hbm>>
    %dma_wait3A_97 = arith.constant 0 : i32
    %dma_wait3A_98 = tpu.memref_slice %arg4[%add3A_68, %dma_wait3A_97] : memref<4096x1024xf32, #tpu.memory_space<hbm>> -> memref<32x1024xf32, #tpu.memory_space<hbm>>
    tpu.wait_dma2 semaphore(%arg10 : memref<!tpu.dma_semaphore, #tpu.memory_space<semaphore_mem>>) src(%arg7 : memref<32x1024xf32, #tpu.memory_space<vmem>>) dst(%dma_wait3A_98 : memref<32x1024xf32, #tpu.memory_space<hbm>>)
    %dma_wait3A_99 = arith.constant 0 : i32
    %dma_wait3A_100 = tpu.memref_slice %arg4[%add3A_79, %dma_wait3A_99] : memref<4096x1024xf32, #tpu.memory_space<hbm>> -> memref<32x1024xf32, #tpu.memory_space<hbm>>
    %dma_wait3A_101 = arith.constant 0 : i32
    %dma_wait3A_102 = tpu.memref_slice %arg4[%add3A_79, %dma_wait3A_101] : memref<4096x1024xf32, #tpu.memory_space<hbm>> -> memref<32x1024xf32, #tpu.memory_space<hbm>>
    tpu.wait_dma2 semaphore(%arg10 : memref<!tpu.dma_semaphore, #tpu.memory_space<semaphore_mem>>) src(%arg8 : memref<32x1024xf32, #tpu.memory_space<vmem>>) dst(%dma_wait3A_102 : memref<32x1024xf32, #tpu.memory_space<hbm>>)
    %dma_wait3A_103 = arith.constant 0 : i32
    %dma_wait3A_104 = tpu.memref_slice %arg4[%add3A_90, %dma_wait3A_103] : memref<4096x1024xf32, #tpu.memory_space<hbm>> -> memref<32x1024xf32, #tpu.memory_space<hbm>>
    %dma_wait3A_105 = arith.constant 0 : i32
    %dma_wait3A_106 = tpu.memref_slice %arg4[%add3A_90, %dma_wait3A_105] : memref<4096x1024xf32, #tpu.memory_space<hbm>> -> memref<32x1024xf32, #tpu.memory_space<hbm>>
    tpu.wait_dma2 semaphore(%arg10 : memref<!tpu.dma_semaphore, #tpu.memory_space<semaphore_mem>>) src(%arg6 : memref<32x1024xf32, #tpu.memory_space<vmem>>) dst(%dma_wait3A_106 : memref<32x1024xf32, #tpu.memory_space<hbm>>)
    return
  }
}

</mosaic_0001>

<sc_bundles>
// kernel: kernel.3.cloned.1.call-start
scs
__scs_entry_jumppad:
0x0: {  	(pc) =	sbr.rel $0x88, $3  }
0x1: {  	(tag) =	ssettag $0x0;
	lr =	simm.s32 $0x1  }
0x2: {  	[smem:$0x3F9F] =	sst lr;
	_ =	strace $0xD0000000  }
0x3: {  	_ = 	snop  }
0x4: {  	_ = 	snop  }
0x5: {  	_ = 	snop  }
0x6: {  	_ = 	snop  }
0x7: {  	_ = 	snop  }
__scs_overlays_trampoline_lowered:
0x8: {  	[smem:$0x3FAE] =	sst s0  }
0x9: {  	[smem:$0x3FAF] =	sst s1  }
0xa: {  	[smem:$0x3FB0] =	sst s2  }
0xb: {  	[smem:$0x3FB1] =	sst s3  }
0xc: {  	[smem:$0x3FB2] =	sst s4  }
0xd: {  	[smem:$0x3FB3] =	sst s5  }
0xe: {  	[smem:$0x3FB4] =	sst s6  }
0xf: {  	[smem:$0x3FB5] =	sst s7  }
0x10: {  	[smem:$0x3FB6] =	sst s8  }
0x11: {  	[smem:$0x3FB7] =	sst s9;
	s0 =	simm.s32 @!p0 $0x0  }
0x12: {  	s1 =	sld [smem:$0x3F9D];
	s0 =	simm.s32 @p0 $0x1  }
0x13: {  	[smem:$0x3FB8] =	sst s0;
	s0 =	simm.s32 @!p1 $0x0  }
0x14: {  	s2 =	sld [smem:$0x3F9C];
	s0 =	simm.s32 @p1 $0x1  }
0x15: {  	[smem:$0x3FB9] =	sst s0;
	s0 =	simm.s32 @!p2 $0x0  }
0x16: {  	s3 =	sld [smem:$0x3FDB];
	s0 =	simm.s32 @p2 $0x1  }
0x17: {  	s4 =	simm.s32 $0x1BF5;
	[smem:$0x3FBB] =	sst s0  }
0x18: {  	s0 =	sld [smem:$0x3F9E];
	_ =	swait.ge [sflag:s4], $0x0  }
0x19: {  	s7 =	sld [smem:$0x3F9F]  }
0x1a: {  	s8 =	sadd.s32 $0xFFFFE003, lr  }
0x1b: {  	s9 =	sadd.s32 $0xFFFFFEF7, lr;
	s5 =	simm.s32 $0xFFFFFFFF;
	p2 =	slt.u32 s8, $0xFFFFF086  }
0x1c: {  	p1 =	slt.u32 s9, $0xF7A;
	s5 =	simm.s32 @!p2 $0x0  }
0x1d: {  	s5 =	simm.s32 @p1 $0x1;
	p0 =	seq.s32 s7, s2  }
0x1e: {  	s7 =	smul.u32 @!p0 $0xF7A, s2;
	p2 =	seq.s32 @!p0 s5, $0x0  }
0x1f: {  	s9 =	smul.u32 $0xF7A, s1;
	s8 =	simm.s32 @!p0 $0x1BF5;
	p2 =	por !p2, p0  }
0x20: {  	[sflag:s8] =	ssyncset.s32 @!p0 $0xFFFFF086;
	s6 =	sadd.s32 @!p0 s3, s7;
	s7 =	simm.s32 @!p0 $0x108  }
0x21: {  	s3 =	sadd.s32 s3, s9;
	s6 =	sadd.s32 @!p0 $0x88, s6;
	s7 =	simm.s32 @p2 $0x1082  }
0x22: {  	[simem:s7], [sflag:s8] =	dma.local @!p0 [hbm:s6], $0xF7A  }
0x23: {  	s9 =	sor.u32 $0xD0000000, s2;
	s6 =	simm.s32 $0x108;
	_ =	swait.ge @!p0 [sflag:s8], $0x0  }
0x24: {  	s3 =	sadd.s32 $0x88, s3;
	s6 =	simm.s32 @!p1 $0x1082;
	[sflag:s4] =	ssyncset.s32 $0xFFFFF086  }
0x25: {  	[simem:s6], [sflag:s4] =	dma.local [hbm:s3], $0xF7A  }
0x26: {  	[smem:$0x3F9F] =	sst s1;
	(tag) =	ssettag s2;
	_ =	strace s9  }
0x27: {  	s1 =	sld [smem:$0x3FAF]  }
0x28: {  	s2 =	sld [smem:$0x3FB0]  }
0x29: {  	s4 =	sld [smem:$0x3FB2]  }
0x2a: {  	p0 =	seq.s32 s5, $0x0;
	s5 =	sld [smem:$0x3FB3]  }
0x2b: {  	s6 =	sld [smem:$0x3FB4]  }
0x2c: {  	s7 =	sld [smem:$0x3FB5]  }
0x2d: {  	s3 =	simm.s32 $0x108;
	s8 =	sld [smem:$0x3FB6]  }
0x2e: {  	s3 =	simm.s32 @!p0 $0x1082;
	s9 =	sld [smem:$0x3FB7]  }
0x2f: {  	lr =	sadd.s32 s0, s3;
	s0 =	sld [smem:$0x3FAE]  }
0x30: {  	s3 =	sld [smem:$0x3FB1]  }
0x31: {  	[smem:$0x3FBA] =	sst s10  }
0x32: {  	s10 =	sld [smem:$0x3FB8];
	_ =	sdelay $0x3  }
0x33: {  	p0 =	seq.s32 s10, $0x1;
	s10 =	sld [smem:$0x3FBA];
	_ =	sdelay $0x3  }
0x34: {  	[smem:$0x3FBA] =	sst s10  }
0x35: {  	s10 =	sld [smem:$0x3FB9];
	_ =	sdelay $0x3  }
0x36: {  	p1 =	seq.s32 s10, $0x1;
	s10 =	sld [smem:$0x3FBA];
	_ =	sdelay $0x3  }
0x37: {  	[smem:$0x3FBA] =	sst s10  }
0x38: {  	s10 =	sld [smem:$0x3FBB]  }
0x39: {  	_ = 	snop;
	(pc) =	sbr.ind lr, $3  }
0x3a: {  	_ = 	snop  }
0x3b: {  	_ = 	snop  }
0x3c: {  	p2 =	seq.s32 s10, $0x1;
	s10 =	sld [smem:$0x3FBA]  }
0x3d: {  	_ =	shalt  }
0x3e: {  	_ =	shalt  }
0x3f: {  	_ =	shalt  }
0x40: {  	_ =	shalt  }
0x41: {  	_ =	shalt  }
0x42: {  	_ =	shalt  }
0x43: {  	_ =	shalt  }
0x44: {  	_ =	shalt  }
0x45: {  	_ =	shalt  }
0x46: {  	_ =	shalt  }
0x47: {  	_ =	shalt  }
0x48: {  	_ =	shalt  }
0x49: {  	_ =	shalt  }
0x4a: {  	_ =	shalt  }
0x4b: {  	_ =	shalt  }
0x4c: {  	_ =	shalt  }
0x4d: {  	_ =	shalt  }
0x4e: {  	_ =	shalt  }
0x4f: {  	_ =	shalt  }
0x50: {  	_ =	shalt  }
0x51: {  	_ =	shalt  }
0x52: {  	_ =	shalt  }
0x53: {  	_ =	shalt  }
0x54: {  	_ =	shalt  }
0x55: {  	_ =	shalt  }
0x56: {  	_ =	shalt  }
0x57: {  	_ =	shalt  }
0x58: {  	_ =	shalt  }
0x59: {  	_ =	shalt  }
0x5a: {  	_ =	shalt  }
0x5b: {  	_ =	shalt  }
0x5c: {  	_ =	shalt  }
0x5d: {  	_ =	shalt  }
0x5e: {  	_ =	shalt  }
0x5f: {  	_ =	shalt  }
0x60: {  	_ =	shalt  }
0x61: {  	_ =	shalt  }
0x62: {  	_ =	shalt  }
0x63: {  	_ =	shalt  }
0x64: {  	_ =	shalt  }
0x65: {  	_ =	shalt  }
0x66: {  	_ =	shalt  }
0x67: {  	_ =	shalt  }
0x68: {  	_ =	shalt  }
0x69: {  	_ =	shalt  }
0x6a: {  	_ =	shalt  }
0x6b: {  	_ =	shalt  }
0x6c: {  	_ =	shalt  }
0x6d: {  	_ =	shalt  }
0x6e: {  	_ =	shalt  }
0x6f: {  	_ =	shalt  }
0x70: {  	_ =	shalt  }
0x71: {  	_ =	shalt  }
0x72: {  	_ =	shalt  }
0x73: {  	_ =	shalt  }
0x74: {  	_ =	shalt  }
0x75: {  	_ =	shalt  }
0x76: {  	_ =	shalt  }
0x77: {  	_ =	shalt  }
0x78: {  	_ =	shalt  }
0x79: {  	_ =	shalt  }
0x7a: {  	_ =	shalt  }
0x7b: {  	_ =	shalt  }
0x7c: {  	_ =	shalt  }
0x7d: {  	_ =	shalt  }
0x7e: {  	_ =	shalt  }
0x7f: {  	_ =	shalt  }
0x80: {  	_ =	shalt  }
0x81: {  	_ =	shalt  }
0x82: {  	_ =	shalt  }
0x83: {  	_ =	shalt  }
0x84: {  	_ =	shalt  }
0x85: {  	_ =	shalt  }
0x86: {  	_ =	shalt  }
0x87: {  	_ =	shalt  }
.Lfunc_end0:
.L_simem_size_0:
called_computation_lowered:
.L_overlay_start_0:
0x88: {  	s2 =	sld [smem:$0x3FD9]  }
0x89: {  	s3 =	sld [smem:$0x3FFE];
	_ =	sdelay $0x1  }
0x8a: {  	s1 =	srdreg.scid  }
0x8b: {  	s0 =	sand.u32 $0x1, s1  }
0x8c: {  	s18 =	sshll.u32 s0, $0xA;
	s2 =	sadd.s32 s3, s2  }
0x8d: {  	s2 =	sadd.s32 s2, s18  }
0x8e: {  	[smem:$0x3FC6] =	sst s2  }
0x8f: {  	_ = 	snop  }
0x90: {  	s2 =	sld [smem:$0x3FC9]  }
0x91: {  	s19 =	sld [smem:$0x3FC8]  }
0x92: {  	s4 =	sld [smem:$0x3FD0];
	(tm) =	ssettm $0x1  }
0x93: {  	s5 =	sld [smem:$0x3FFB];
	_ =	sdelay $0x3  }
0x94: {  	_ =	strace s5  }
0x95: {  	s5 =	sld [smem:$0x3FFC];
	_ =	sdelay $0x3  }
0x96: {  	_ =	strace s5  }
0x97: {  	s5 =	sld [smem:$0x3FFD];
	_ =	sdelay $0x3  }
0x98: {  	_ =	strace s5  }
0x99: {  	_ =	strace $0x8FFFFFFF  }
0x9a: {  	s20 =	sld [smem:$0x3FDB];
	_ =	sdelay $0x1  }
0x9b: {  	s6 =	simm.s32 $_scs_section_size  }
0x9c: {  	s7 =	simm.s32 $_size__tile_overlayer_lowered;
	s8 =	simm.s32 $_tile_overlayer_lowered  }
0x9d: {  	s23 =	simm.s32 $0x1BFF;
	s22 =	sshll.u32 s8, $0x1;
	s5 =	sadd.s32 s6, s20  }
0x9e: {  	s9 =	simm.s32 $0x0;
	s21 =	sshll.u32 s7, $0x1;
	s7 =	sadd.s32 s22, s5  }
0x9f: {  	[timem:s9], [sflag:s23] =	dma.local [hbm:s7], s21  }
0xa0: {  	_ =	swait.ge [sflag:s23], s21  }
0xa1: {  	s6 =	ssub.s32 $0x0, s21;
	[sflag:s23] =	ssyncset.done $0x0  }
0xa2: {  	[sflag:s23] =	ssyncadd.s32 s6;
	_ =	sdelay $0x1  }
0xa3: {  	s24 =	simm.s32 $0x1B8B  }
0xa4: {  	_ =	swait.ge [sflag:s24], $0x1  }
0xa5: {  	[sflag:s24] =	ssyncset.done $0x0  }
0xa6: {  	s25 =	simm.s32 $0x1B8E;
	[sflag:s24] =	ssyncadd.s32 $0xFFFFFFFF  }
0xa7: {  	s26 =	simm.s32 $execute0_lowered;
	[smem:$0x3FD2] =	sst s25  }
0xa8: {  	s6 =	sshll.u32 s26, $0x1;
	_ =	strace $0x80000046;
	[dreg:$0x1] =	wrdreg $0xFFFFFFFF  }
0xa9: {  	s28 =	simm.s32 $_size_execute0_lowered;
	s5 =	sadd.s32 s5, s6;
	[dreg:$0x0] =	wrdreg $0x0  }
0xaa: {  	s6 =	sshll.u32 s28, $0x1;
	[dreg:$0x2] =	wrdreg s5  }
0xab: {  	[dreg:$0x3] =	wrdreg s6  }
0xac: {  	[dreg:$0x4] =	wrdreg $0xC0  }
0xad: {  	_ =	task [dreg:s9], $0x5FFFF  }
0xae: {  	[dreg:$0x1] =	wrdreg $0xFFFFFFFF  }
0xaf: {  	[dreg:$0x0] =	wrdreg $0x60  }
0xb0: {  	[dreg:$0x2] =	wrdreg s2  }
0xb1: {  	[dreg:$0x3] =	wrdreg s19  }
0xb2: {  	[dreg:$0x4] =	wrdreg s4  }
0xb3: {  	[dreg:$0x5] =	wrdreg $0x9  }
0xb4: {  	_ =	task.clear_ibuf [dreg:s9], $0x6FFFF;
	_ =	strace $0x90000046  }
0xb5: {  	s29 =	simm.s32 $0x9;
	_ =	strace $0x80000048  }
0xb6: {  	_ =	swait.ge [sflag:s29], $0x1  }
0xb7: {  	[sflag:s29] =	ssyncadd.s32 $0xFFFFFFFF  }
0xb8: {  	_ =	strace $0x90000048  }
0xb9: {  	_ =	sfence  }
0xba: {  	s30 =	sld [smem:$0x0];
	_ =	sdelay $0x2  }
0xbb: {  	s31 =	sshll.u32 s1, $0xD;
	s1 =	sshrl.u32 s1, $0x2  }
0xbc: {  	s3 =	sand.u32 $0x4000, s31;
	s1 =	sadd.s32 s1, s30  }
0xbd: {  	s0 =	sor.u32 s3, s0;
	s1 =	sshll.u32 s1, $0x11  }
0xbe: {  	s0 =	sor.u32 s1, s0  }
0xbf: {  	s0 =	sadd.s32 $0x8F2B, s0  }
0xc0: {  	[sflag:s0] =	ssyncadd.remote.s32 $0x1  }
0xc1: {  	_ =	sfence.sel $0xFFFF  }
0xc2: {  	[dreg:$0x0] =	wrdreg $0xFFFFFFFF;
	(pc) =	sbr.abs _section_cstart, $3  }
0xc3: {  	[dreg:$0x1] =	wrdreg $0xFFFFFFFF  }
0xc4: {  	_ =	task.clear_ibuf [dreg:s9], $0x2FFFF;
	_ =	strace $0x9FFFFFFF  }
0xc5: {  	(tm) =	ssettm $0x7FFFFFFF  }
tec
execute0_lowered:
.L_overlay_start_1:
0x0: {  	(tag) =	ssettag $0x1  }
0x1: {  	s1 =	rddreg [dreg:$0x0]  }
0x2: {  	s3 =	srdreg.scid;
	s2 =	rddreg [dreg:$0x1]  }
0x3: {  	s6 =	rddreg [dreg:$0x2];
	s5 =	sand.u32 $0x1, s3;
	s3 =	simm.s32 $0x0  }
0x4: {  	s19 =	simm.s32 $0x20;
	[smem:$0x7FF] =	sst s3  }
0x5: {  	s20 =	simm.s32 $0x8880;
	_ =	strace $0x80000047;
	[dreg:$0x9] =	wrdreg s19  }
0x6: {  	s21 =	simm.s32 $0x9080;
	[dreg:$0xa] =	wrdreg s20  }
0x7: {  	s22 =	simm.s32 $0x9880;
	[dreg:$0xb] =	wrdreg s21  }
0x8: {  	s23 =	simm.s32 $0xA080;
	[dreg:$0xc] =	wrdreg s22  }
0x9: {  	s24 =	simm.s32 $0xA880;
	[dreg:$0xd] =	wrdreg s23  }
0xa: {  	s25 =	simm.s32 $0xB080;
	[dreg:$0xe] =	wrdreg s24  }
0xb: {  	s0 =	stileid.u32;
	s26 =	simm.s32 $0xB880;
	[dreg:$0xf] =	wrdreg s25  }
0xc: {  	s30 =	simm.s32 $0xC080;
	s9 =	simm.s32 $0xC880;
	[dreg:$0x10] =	wrdreg s26  }
0xd: {  	s10 =	simm.s32 $0xD080;
	s11 =	simm.s32 $0xD880;
	[dreg:$0x11] =	wrdreg s30  }
0xe: {  	s12 =	simm.s32 $0xE080;
	s13 =	simm.s32 $0xE880;
	[dreg:$0x12] =	wrdreg s9  }
0xf: {  	s28 =	simm.s32 $0x10080;
	s31 =	simm.s32 $0x1;
	[dreg:$0x13] =	wrdreg s10  }
0x10: {  	s4 =	sshll.u32 s0, $0x8;
	s7 =	sshll.u32 s5, $0x7;
	[dreg:$0x14] =	wrdreg s11  }
0x11: {  	s5 =	ssub.s32 $0x2, s5;
	s4 =	sor.u32 s7, s4;
	[dreg:$0x15] =	wrdreg s12  }
0x12: {  	s29 =	sshrl.u32 s5, $0x1;
	s9 =	simm.s32 $0x3;
	[dreg:$0x16] =	wrdreg s13  }
0x13: {  	s10 =	simm.s32 $0x80;
	s11 =	simm.s32 $0x880;
	s12 =	simm.s32 $0x1080  }
0x14: {  	s13 =	simm.s32 $0x1880;
	s19 =	simm.s32 $0x12080;
	s20 =	simm.s32 $0x12880  }
0x15: {  	s21 =	simm.s32 $0x13080;
	s22 =	simm.s32 $0x13880;
	[dreg:$0x1c] =	wrdreg s19  }
0x16: {  	s23 =	simm.s32 $0x14080;
	s24 =	simm.s32 $0x14880;
	[dreg:$0x1d] =	wrdreg s20  }
0x17: {  	s25 =	simm.s32 $0x15080;
	s26 =	simm.s32 $0x15880;
	[dreg:$0x1e] =	wrdreg s21  }
0x18: {  	s30 =	simm.s32 $0x16880;
	s7 =	sshrl.u32 s4, $0x3;
	[dreg:$0x1f] =	wrdreg s22  }
0x19: {  	s8 =	sor.u32 $0x20, s4;
	s4 =	sshll.u32 s4, $0x7;
	[smem:$0x7F8] =	sst s23  }
0x1a: {  	s0 =	ssub.s32 s5, s29;
	s5 =	sadd.s32 $0x100, s2;
	[smem:$0x7F9] =	sst s24  }
0x1b: {  	s19 =	simm.s32 $0x4880;
	s20 =	simm.s32 $0x5080;
	[smem:$0x7FA] =	sst s25  }
0x1c: {  	s21 =	simm.s32 $0x5880;
	s22 =	simm.s32 $0x6080;
	[smem:$0x7FB] =	sst s26  }
0x1d: {  	s29 =	simm.s32 $0x16080;
	s23 =	simm.s32 $0x6880;
	[smem:$0x7FD] =	sst s30  }
0x1e: {  	s7 =	sadd.s32 s1, s7;
	s14 =	sshrl.u32 s8, $0x3;
	[smem:$0x7FC] =	sst s29  }
0x1f: {  	s15 =	sshll.u32 s8, $0x7;
	[dreg:$0x4] =	wrdreg s7;
	s1 =	sadd.s32 s1, s14  }
0x20: {  	s4 =	sadd.s32 s6, s4;
	s16 =	sadd.s32 s6, s15;
	[dreg:$0x5] =	wrdreg s1  }
0x21: {  	s24 =	simm.s32 $0x7080;
	s17 =	sadd.s32 $0x2000, s4;
	[dreg:$0x6] =	wrdreg s16  }
0x22: {  	s25 =	simm.s32 $0x7880;
	s18 =	sadd.s32 $0x3000, s4;
	[dreg:$0x7] =	wrdreg s17  }
0x23: {  	s26 =	simm.s32 $0x8080;
	s14 =	simm.s32 $0xF080;
	[dreg:$0x8] =	wrdreg s18  }
0x24: {  	s8 =	smax.u32 s0, $0x1;
	s15 =	simm.s32 $0xF880;
	[dreg:$0x17] =	wrdreg s14  }
0x25: {  	s6 =	sadd.s32 $0x200, s2;
	[dreg:$0x18] =	wrdreg s15;
	s16 =	simm.s32 $0x10880  }
0x26: {  	s7 =	sadd.s32 $0x300, s2;
	s17 =	simm.s32 $0x11080;
	[dreg:$0x19] =	wrdreg s16  }
0x27: {  	v2 =	vlaneseq.u32;
	s18 =	simm.s32 $0x11880;
	s14 =	simm.s32 $0x2080;
	[dreg:$0x1a] =	wrdreg s17  }
0x28: {  	vm0 =	vmmov $0xffff;
	v1 =	vshrl.u32 v2, $0x3;
	s15 =	simm.s32 $0x2880;
	s1 =	simm.s32 $0x2;
	[dreg:$0x1b] =	wrdreg s18  }
0x29: {  	v0 =	vand.u32 $0x7, v2;
	v2 =	vor.u32 $0x8, v2;
	v1 =	vmul.u32 $0x8, v1;
	s16 =	simm.s32 $0x3080;
	s17 =	simm.s32 $0x3880;
	s18 =	simm.s32 $0x4080  }
.LBB2_1:
0x2a: {  	s0 =	rddreg [dreg:$0x4]  }
0x2b: {  	s29 =	rddreg [dreg:$0x5]  }
0x2c: {  	[tilespmem:s3], [sflag:$0x3] =	stream.linear.gather [hbm4b:s0+s3], $0x20, $0x38;
	[tilespmem:$0x18080] =	vst v63  }
0x2d: {  	s30 =	rddreg [dreg:$0x9]  }
0x2e: {  	[tilespmem:s30], [sflag:$0x3] =	stream.linear.gather [hbm4b:s29+s3], $0x60, $0x38;
	[tilespmem:$0x18080] =	vst v63  }
0x2f: {  	_ =	swait.ge [sflag:s9], $0x20  }
0x30: {  	[sflag:s9] =	ssyncset.done $0x0  }
0x31: {  	[sflag:s9] =	ssyncadd.s32 $0xFFFFFFE0  }
0x32: {  	v3 =	vld [tilespmem:$0x0];
	_ =	sdelay $0x4  }
0x33: {  	v4 =	vshll.u32 v3, $0x3  }
0x34: {  	v3 =	vand.u32 $0x7, v3;
	v4 =	vand.u32 $0xFFFFFFC0, v4  }
0x35: {  	v3 =	vor.u32 v3, v4  }
0x36: {  	v4 =	vperm.xlane v3, v0;
	_ =	sdelay $0x1  }
0x37: {  	v4 =	vadd.s32 v1, v4;
	_ =	sdelay $0x4  }
0x38: {  	[tilespmem:s10], [sflag:$0x1] =	stream.indirect_vreg.gather [hbm4b:s2+s3], $0x80, v4, vm0, $0xb8;
	[tilespmem:$0x18080] =	vst v63  }
0x39: {  	v3 =	vperm.xlane v3, v2  }
0x3a: {  	[tilespmem:s11], [sflag:$0x1] =	stream.indirect_vreg.gather [hbm4b:s5+s3], $0x80, v4, vm0, $0xb8;
	[tilespmem:$0x18080] =	vst v63  }
0x3b: {  	v3 =	vadd.s32 v1, v3  }
0x3c: {  	[tilespmem:s12], [sflag:$0x1] =	stream.indirect_vreg.gather [hbm4b:s6+s3], $0x80, v4, vm0, $0xb8;
	[tilespmem:$0x18080] =	vst v63  }
0x3d: {  	_ = 	snop  }
0x3e: {  	[tilespmem:s13], [sflag:$0x1] =	stream.indirect_vreg.gather [hbm4b:s7+s3], $0x80, v4, vm0, $0xb8;
	[tilespmem:$0x18080] =	vst v63  }
0x3f: {  	_ = 	snop  }
0x40: {  	[tilespmem:s14], [sflag:$0x1] =	stream.indirect_vreg.gather [hbm4b:s2+s3], $0x80, v3, vm0, $0xb8;
	[tilespmem:$0x18080] =	vst v63  }
0x41: {  	_ = 	snop  }
0x42: {  	[tilespmem:s15], [sflag:$0x1] =	stream.indirect_vreg.gather [hbm4b:s5+s3], $0x80, v3, vm0, $0xb8;
	[tilespmem:$0x18080] =	vst v63  }
0x43: {  	_ = 	snop  }
0x44: {  	[tilespmem:s16], [sflag:$0x1] =	stream.indirect_vreg.gather [hbm4b:s6+s3], $0x80, v3, vm0, $0xb8;
	[tilespmem:$0x18080] =	vst v63  }
0x45: {  	_ = 	snop  }
0x46: {  	[tilespmem:s17], [sflag:$0x1] =	stream.indirect_vreg.gather [hbm4b:s7+s3], $0x80, v3, vm0, $0xb8;
	[tilespmem:$0x18080] =	vst v63  }
0x47: {  	v3 =	vld [tilespmem:$0x10];
	_ =	sdelay $0x4  }
0x48: {  	v57 =	vshll.u32 v3, $0x3  }
0x49: {  	v3 =	vand.u32 $0x7, v3;
	v4 =	vand.u32 $0xFFFFFFC0, v57  }
0x4a: {  	v3 =	vor.u32 v3, v4  }
0x4b: {  	v4 =	vperm.xlane v3, v0;
	_ =	sdelay $0x1  }
0x4c: {  	v4 =	vadd.s32 v1, v4;
	_ =	sdelay $0x4  }
0x4d: {  	[tilespmem:s18], [sflag:$0x1] =	stream.indirect_vreg.gather [hbm4b:s2+s3], $0x80, v4, vm0, $0xb8;
	[tilespmem:$0x18080] =	vst v63  }
0x4e: {  	v3 =	vperm.xlane v3, v2  }
0x4f: {  	[tilespmem:s19], [sflag:$0x1] =	stream.indirect_vreg.gather [hbm4b:s5+s3], $0x80, v4, vm0, $0xb8;
	[tilespmem:$0x18080] =	vst v63  }
0x50: {  	v3 =	vadd.s32 v1, v3  }
0x51: {  	[tilespmem:s20], [sflag:$0x1] =	stream.indirect_vreg.gather [hbm4b:s6+s3], $0x80, v4, vm0, $0xb8;
	[tilespmem:$0x18080] =	vst v63  }
0x52: {  	_ = 	snop  }
0x53: {  	[tilespmem:s21], [sflag:$0x1] =	stream.indirect_vreg.gather [hbm4b:s7+s3], $0x80, v4, vm0, $0xb8;
	[tilespmem:$0x18080] =	vst v63  }
0x54: {  	_ = 	snop  }
0x55: {  	[tilespmem:s22], [sflag:$0x1] =	stream.indirect_vreg.gather [hbm4b:s2+s3], $0x80, v3, vm0, $0xb8;
	[tilespmem:$0x18080] =	vst v63  }
0x56: {  	_ = 	snop  }
0x57: {  	[tilespmem:s23], [sflag:$0x1] =	stream.indirect_vreg.gather [hbm4b:s5+s3], $0x80, v3, vm0, $0xb8;
	[tilespmem:$0x18080] =	vst v63  }
0x58: {  	_ = 	snop  }
0x59: {  	[tilespmem:s24], [sflag:$0x1] =	stream.indirect_vreg.gather [hbm4b:s6+s3], $0x80, v3, vm0, $0xb8;
	[tilespmem:$0x18080] =	vst v63  }
0x5a: {  	_ = 	snop  }
0x5b: {  	[tilespmem:s25], [sflag:$0x1] =	stream.indirect_vreg.gather [hbm4b:s7+s3], $0x80, v3, vm0, $0xb8;
	[tilespmem:$0x18080] =	vst v63  }
0x5c: {  	_ =	swait.ge [sflag:s9], $0x60  }
0x5d: {  	[sflag:s9] =	ssyncset.done $0x0  }
0x5e: {  	[sflag:s9] =	ssyncadd.s32 $0xFFFFFFA0  }
0x5f: {  	v3 =	vld [tilespmem:$0x20];
	_ =	sdelay $0x4  }
0x60: {  	v58 =	vshll.u32 v3, $0x3  }
0x61: {  	v3 =	vand.u32 $0x7, v3;
	v4 =	vand.u32 $0xFFFFFFC0, v58  }
0x62: {  	v3 =	vor.u32 v3, v4  }
0x63: {  	v4 =	vperm.xlane v3, v0;
	_ =	sdelay $0x1  }
0x64: {  	v4 =	vadd.s32 v1, v4;
	_ =	sdelay $0x4  }
0x65: {  	[tilespmem:s26], [sflag:$0x1] =	stream.indirect_vreg.gather [hbm4b:s2+s3], $0x80, v4, vm0, $0xb8;
	[tilespmem:$0x18080] =	vst v63  }
0x66: {  	s30 =	rddreg [dreg:$0xa];
	v3 =	vperm.xlane v3, v2  }
0x67: {  	[tilespmem:s30], [sflag:$0x1] =	stream.indirect_vreg.gather [hbm4b:s5+s3], $0x80, v4, vm0, $0xb8;
	[tilespmem:$0x18080] =	vst v63  }
0x68: {  	s29 =	rddreg [dreg:$0xb];
	v3 =	vadd.s32 v1, v3  }
0x69: {  	[tilespmem:s29], [sflag:$0x1] =	stream.indirect_vreg.gather [hbm4b:s6+s3], $0x80, v4, vm0, $0xb8;
	[tilespmem:$0x18080] =	vst v63  }
0x6a: {  	s30 =	rddreg [dreg:$0xc]  }
0x6b: {  	[tilespmem:s30], [sflag:$0x1] =	stream.indirect_vreg.gather [hbm4b:s7+s3], $0x80, v4, vm0, $0xb8;
	[tilespmem:$0x18080] =	vst v63  }
0x6c: {  	s29 =	rddreg [dreg:$0xd]  }
0x6d: {  	[tilespmem:s29], [sflag:$0x1] =	stream.indirect_vreg.gather [hbm4b:s2+s3], $0x80, v3, vm0, $0xb8;
	[tilespmem:$0x18080] =	vst v63  }
0x6e: {  	s30 =	rddreg [dreg:$0xe]  }
0x6f: {  	[tilespmem:s30], [sflag:$0x1] =	stream.indirect_vreg.gather [hbm4b:s5+s3], $0x80, v3, vm0, $0xb8;
	[tilespmem:$0x18080] =	vst v63  }
0x70: {  	s29 =	rddreg [dreg:$0xf]  }
0x71: {  	[tilespmem:s29], [sflag:$0x1] =	stream.indirect_vreg.gather [hbm4b:s6+s3], $0x80, v3, vm0, $0xb8;
	[tilespmem:$0x18080] =	vst v63  }
0x72: {  	s30 =	rddreg [dreg:$0x10]  }
0x73: {  	[tilespmem:s30], [sflag:$0x1] =	stream.indirect_vreg.gather [hbm4b:s7+s3], $0x80, v3, vm0, $0xb8;
	[tilespmem:$0x18080] =	vst v63  }
0x74: {  	v3 =	vld [tilespmem:$0x30];
	_ =	sdelay $0x4  }
0x75: {  	v59 =	vshll.u32 v3, $0x3  }
0x76: {  	v3 =	vand.u32 $0x7, v3;
	v4 =	vand.u32 $0xFFFFFFC0, v59  }
0x77: {  	v3 =	vor.u32 v3, v4  }
0x78: {  	v4 =	vperm.xlane v3, v0;
	_ =	sdelay $0x1  }
0x79: {  	v4 =	vadd.s32 v1, v4;
	_ =	sdelay $0x3  }
0x7a: {  	s0 =	rddreg [dreg:$0x11]  }
0x7b: {  	[tilespmem:s0], [sflag:$0x1] =	stream.indirect_vreg.gather [hbm4b:s2+s3], $0x80, v4, vm0, $0xb8;
	[tilespmem:$0x18080] =	vst v63  }
0x7c: {  	s30 =	rddreg [dreg:$0x12];
	v3 =	vperm.xlane v3, v2  }
0x7d: {  	[tilespmem:s30], [sflag:$0x1] =	stream.indirect_vreg.gather [hbm4b:s5+s3], $0x80, v4, vm0, $0xb8;
	[tilespmem:$0x18080] =	vst v63  }
0x7e: {  	v3 =	vadd.s32 v1, v3;
	s0 =	rddreg [dreg:$0x13]  }
0x7f: {  	[tilespmem:s0], [sflag:$0x1] =	stream.indirect_vreg.gather [hbm4b:s6+s3], $0x80, v4, vm0, $0xb8;
	[tilespmem:$0x18080] =	vst v63  }
0x80: {  	s30 =	rddreg [dreg:$0x14]  }
0x81: {  	[tilespmem:s30], [sflag:$0x1] =	stream.indirect_vreg.gather [hbm4b:s7+s3], $0x80, v4, vm0, $0xb8;
	[tilespmem:$0x18080] =	vst v63  }
0x82: {  	s0 =	rddreg [dreg:$0x15]  }
0x83: {  	[tilespmem:s0], [sflag:$0x1] =	stream.indirect_vreg.gather [hbm4b:s2+s3], $0x80, v3, vm0, $0xb8;
	[tilespmem:$0x18080] =	vst v63  }
0x84: {  	s30 =	rddreg [dreg:$0x16]  }
0x85: {  	[tilespmem:s30], [sflag:$0x1] =	stream.indirect_vreg.gather [hbm4b:s5+s3], $0x80, v3, vm0, $0xb8;
	[tilespmem:$0x18080] =	vst v63  }
0x86: {  	s0 =	rddreg [dreg:$0x17]  }
0x87: {  	[tilespmem:s0], [sflag:$0x1] =	stream.indirect_vreg.gather [hbm4b:s6+s3], $0x80, v3, vm0, $0xb8;
	[tilespmem:$0x18080] =	vst v63  }
0x88: {  	s30 =	rddreg [dreg:$0x18]  }
0x89: {  	[tilespmem:s30], [sflag:$0x1] =	stream.indirect_vreg.gather [hbm4b:s7+s3], $0x80, v3, vm0, $0xb8;
	[tilespmem:$0x18080] =	vst v63  }
0x8a: {  	v3 =	vld [tilespmem:$0x40];
	_ =	sdelay $0x4  }
0x8b: {  	v60 =	vshll.u32 v3, $0x3  }
0x8c: {  	v3 =	vand.u32 $0x7, v3;
	v4 =	vand.u32 $0xFFFFFFC0, v60  }
0x8d: {  	v3 =	vor.u32 v3, v4  }
0x8e: {  	v4 =	vperm.xlane v3, v0;
	_ =	sdelay $0x1  }
0x8f: {  	v4 =	vadd.s32 v1, v4;
	_ =	sdelay $0x4  }
0x90: {  	[tilespmem:s28], [sflag:$0x1] =	stream.indirect_vreg.gather [hbm4b:s2+s3], $0x80, v4, vm0, $0xb8;
	[tilespmem:$0x18080] =	vst v63  }
0x91: {  	s30 =	rddreg [dreg:$0x19];
	v3 =	vperm.xlane v3, v2  }
0x92: {  	[tilespmem:s30], [sflag:$0x1] =	stream.indirect_vreg.gather [hbm4b:s5+s3], $0x80, v4, vm0, $0xb8;
	[tilespmem:$0x18080] =	vst v63  }
0x93: {  	s29 =	rddreg [dreg:$0x1a];
	v3 =	vadd.s32 v1, v3  }
0x94: {  	[tilespmem:s29], [sflag:$0x1] =	stream.indirect_vreg.gather [hbm4b:s6+s3], $0x80, v4, vm0, $0xb8;
	[tilespmem:$0x18080] =	vst v63  }
0x95: {  	s30 =	rddreg [dreg:$0x1b]  }
0x96: {  	[tilespmem:s30], [sflag:$0x1] =	stream.indirect_vreg.gather [hbm4b:s7+s3], $0x80, v4, vm0, $0xb8;
	[tilespmem:$0x18080] =	vst v63  }
0x97: {  	s29 =	rddreg [dreg:$0x1c]  }
0x98: {  	[tilespmem:s29], [sflag:$0x1] =	stream.indirect_vreg.gather [hbm4b:s2+s3], $0x80, v3, vm0, $0xb8;
	[tilespmem:$0x18080] =	vst v63  }
0x99: {  	s30 =	rddreg [dreg:$0x1d]  }
0x9a: {  	[tilespmem:s30], [sflag:$0x1] =	stream.indirect_vreg.gather [hbm4b:s5+s3], $0x80, v3, vm0, $0xb8;
	[tilespmem:$0x18080] =	vst v63  }
0x9b: {  	s29 =	rddreg [dreg:$0x1e]  }
0x9c: {  	[tilespmem:s29], [sflag:$0x1] =	stream.indirect_vreg.gather [hbm4b:s6+s3], $0x80, v3, vm0, $0xb8;
	[tilespmem:$0x18080] =	vst v63  }
0x9d: {  	s30 =	rddreg [dreg:$0x1f]  }
0x9e: {  	[tilespmem:s30], [sflag:$0x1] =	stream.indirect_vreg.gather [hbm4b:s7+s3], $0x80, v3, vm0, $0xb8;
	[tilespmem:$0x18080] =	vst v63  }
0x9f: {  	v3 =	vld [tilespmem:$0x50];
	_ =	sdelay $0x4  }
0xa0: {  	v61 =	vshll.u32 v3, $0x3  }
0xa1: {  	v3 =	vand.u32 $0x7, v3;
	v4 =	vand.u32 $0xFFFFFFC0, v61  }
0xa2: {  	v3 =	vor.u32 v3, v4  }
0xa3: {  	v4 =	vperm.xlane v3, v0;
	_ =	sdelay $0x1  }
0xa4: {  	v4 =	vadd.s32 v1, v4;
	_ =	sdelay $0x1  }
0xa5: {  	s0 =	sld [smem:$0x7F8];
	_ =	sdelay $0x1  }
0xa6: {  	s30 =	sld [smem:$0x7F9]  }
0xa7: {  	[tilespmem:s0], [sflag:$0x1] =	stream.indirect_vreg.gather [hbm4b:s2+s3], $0x80, v4, vm0, $0xb8;
	[tilespmem:$0x18080] =	vst v63  }
0xa8: {  	v3 =	vperm.xlane v3, v2;
	s0 =	sld [smem:$0x7FA]  }
0xa9: {  	[tilespmem:s30], [sflag:$0x1] =	stream.indirect_vreg.gather [hbm4b:s5+s3], $0x80, v4, vm0, $0xb8;
	[tilespmem:$0x18080] =	vst v63  }
0xaa: {  	v3 =	vadd.s32 v1, v3;
	s30 =	sld [smem:$0x7FB]  }
0xab: {  	[tilespmem:s0], [sflag:$0x1] =	stream.indirect_vreg.gather [hbm4b:s6+s3], $0x80, v4, vm0, $0xb8;
	[tilespmem:$0x18080] =	vst v63  }
0xac: {  	s0 =	sld [smem:$0x7FC]  }
0xad: {  	[tilespmem:s30], [sflag:$0x1] =	stream.indirect_vreg.gather [hbm4b:s7+s3], $0x80, v4, vm0, $0xb8;
	[tilespmem:$0x18080] =	vst v63  }
0xae: {  	s30 =	sld [smem:$0x7FD]  }
0xaf: {  	[tilespmem:s0], [sflag:$0x1] =	stream.indirect_vreg.gather [hbm4b:s2+s3], $0x80, v3, vm0, $0xb8;
	[tilespmem:$0x18080] =	vst v63  }
0xb0: {  	_ = 	snop  }
0xb1: {  	[tilespmem:s30], [sflag:$0x1] =	stream.indirect_vreg.gather [hbm4b:s5+s3], $0x80, v3, vm0, $0xb8;
	[tilespmem:$0x18080] =	vst v63  }
0xb2: {  	s30 =	simm.s32 $0x17080  }
0xb3: {  	[tilespmem:s30], [sflag:$0x1] =	stream.indirect_vreg.gather [hbm4b:s6+s3], $0x80, v3, vm0, $0xb8;
	[tilespmem:$0x18080] =	vst v63  }
0xb4: {  	s29 =	simm.s32 $0x17880  }
0xb5: {  	[tilespmem:s29], [sflag:$0x1] =	stream.indirect_vreg.gather [hbm4b:s7+s3], $0x80, v3, vm0, $0xb8;
	[tilespmem:$0x18080] =	vst v63  }
0xb6: {  	_ =	swait.ge [sflag:s31], $0x8000  }
0xb7: {  	[sflag:s31] =	ssyncset.done $0x0  }
0xb8: {  	[sflag:s31] =	ssyncadd.s32 $0xFFFF8000  }
0xb9: {  	[hbm4b:s4+s3] =	stream.linear.scatter [tilespmem:s10], [sflag:$0x2], $0x8000, $0x38;
	[tilespmem:$0x18080] =	vst v63  }
0xba: {  	_ =	swait.ge [sflag:s1], $0x8000  }
0xbb: {  	[sflag:s1] =	ssyncset.done $0x0  }
0xbc: {  	[sflag:s1] =	ssyncadd.s32 $0xFFFF8000  }
0xbd: {  	v3 =	vld [tilespmem:$0x60];
	_ =	sdelay $0x4  }
0xbe: {  	v62 =	vshll.u32 v3, $0x3  }
0xbf: {  	v3 =	vand.u32 $0x7, v3;
	v4 =	vand.u32 $0xFFFFFFC0, v62  }
0xc0: {  	v3 =	vor.u32 v3, v4  }
0xc1: {  	v4 =	vperm.xlane v3, v0;
	_ =	sdelay $0x1  }
0xc2: {  	v4 =	vadd.s32 v1, v4;
	_ =	sdelay $0x4  }
0xc3: {  	[tilespmem:s10], [sflag:$0x1] =	stream.indirect_vreg.gather [hbm4b:s2+s3], $0x80, v4, vm0, $0xb8;
	[tilespmem:$0x18080] =	vst v63  }
0xc4: {  	v3 =	vperm.xlane v3, v2  }
0xc5: {  	[tilespmem:s11], [sflag:$0x1] =	stream.indirect_vreg.gather [hbm4b:s5+s3], $0x80, v4, vm0, $0xb8;
	[tilespmem:$0x18080] =	vst v63  }
0xc6: {  	v3 =	vadd.s32 v1, v3  }
0xc7: {  	[tilespmem:s12], [sflag:$0x1] =	stream.indirect_vreg.gather [hbm4b:s6+s3], $0x80, v4, vm0, $0xb8;
	[tilespmem:$0x18080] =	vst v63  }
0xc8: {  	_ = 	snop  }
0xc9: {  	[tilespmem:s13], [sflag:$0x1] =	stream.indirect_vreg.gather [hbm4b:s7+s3], $0x80, v4, vm0, $0xb8;
	[tilespmem:$0x18080] =	vst v63  }
0xca: {  	_ = 	snop  }
0xcb: {  	[tilespmem:s14], [sflag:$0x1] =	stream.indirect_vreg.gather [hbm4b:s2+s3], $0x80, v3, vm0, $0xb8;
	[tilespmem:$0x18080] =	vst v63  }
0xcc: {  	_ = 	snop  }
0xcd: {  	[tilespmem:s15], [sflag:$0x1] =	stream.indirect_vreg.gather [hbm4b:s5+s3], $0x80, v3, vm0, $0xb8;
	[tilespmem:$0x18080] =	vst v63  }
0xce: {  	_ = 	snop  }
0xcf: {  	[tilespmem:s16], [sflag:$0x1] =	stream.indirect_vreg.gather [hbm4b:s6+s3], $0x80, v3, vm0, $0xb8;
	[tilespmem:$0x18080] =	vst v63  }
0xd0: {  	_ = 	snop  }
0xd1: {  	[tilespmem:s17], [sflag:$0x1] =	stream.indirect_vreg.gather [hbm4b:s7+s3], $0x80, v3, vm0, $0xb8;
	[tilespmem:$0x18080] =	vst v63  }
0xd2: {  	v3 =	vld [tilespmem:$0x70];
	_ =	sdelay $0x4  }
0xd3: {  	v63 =	vshll.u32 v3, $0x3  }
0xd4: {  	v3 =	vand.u32 $0x7, v3;
	v4 =	vand.u32 $0xFFFFFFC0, v63  }
0xd5: {  	v3 =	vor.u32 v3, v4  }
0xd6: {  	v4 =	vperm.xlane v3, v0;
	_ =	sdelay $0x1  }
0xd7: {  	v4 =	vadd.s32 v1, v4;
	_ =	sdelay $0x4  }
0xd8: {  	[tilespmem:s18], [sflag:$0x1] =	stream.indirect_vreg.gather [hbm4b:s2+s3], $0x80, v4, vm0, $0xb8;
	[tilespmem:$0x18080] =	vst v63  }
0xd9: {  	v3 =	vperm.xlane v3, v2  }
0xda: {  	[tilespmem:s19], [sflag:$0x1] =	stream.indirect_vreg.gather [hbm4b:s5+s3], $0x80, v4, vm0, $0xb8;
	[tilespmem:$0x18080] =	vst v63  }
0xdb: {  	v3 =	vadd.s32 v1, v3  }
0xdc: {  	[tilespmem:s20], [sflag:$0x1] =	stream.indirect_vreg.gather [hbm4b:s6+s3], $0x80, v4, vm0, $0xb8;
	[tilespmem:$0x18080] =	vst v63  }
0xdd: {  	_ = 	snop  }
0xde: {  	[tilespmem:s21], [sflag:$0x1] =	stream.indirect_vreg.gather [hbm4b:s7+s3], $0x80, v4, vm0, $0xb8;
	[tilespmem:$0x18080] =	vst v63  }
0xdf: {  	_ = 	snop  }
0xe0: {  	[tilespmem:s22], [sflag:$0x1] =	stream.indirect_vreg.gather [hbm4b:s2+s3], $0x80, v3, vm0, $0xb8;
	[tilespmem:$0x18080] =	vst v63  }
0xe1: {  	_ = 	snop  }
0xe2: {  	[tilespmem:s23], [sflag:$0x1] =	stream.indirect_vreg.gather [hbm4b:s5+s3], $0x80, v3, vm0, $0xb8;
	[tilespmem:$0x18080] =	vst v63  }
0xe3: {  	_ = 	snop  }
0xe4: {  	[tilespmem:s24], [sflag:$0x1] =	stream.indirect_vreg.gather [hbm4b:s6+s3], $0x80, v3, vm0, $0xb8;
	[tilespmem:$0x18080] =	vst v63  }
0xe5: {  	_ = 	snop  }
0xe6: {  	[tilespmem:s25], [sflag:$0x1] =	stream.indirect_vreg.gather [hbm4b:s7+s3], $0x80, v3, vm0, $0xb8;
	[tilespmem:$0x18080] =	vst v63  }
0xe7: {  	_ =	swait.ge [sflag:s31], $0x8000  }
0xe8: {  	[sflag:s31] =	ssyncset.done $0x0  }
0xe9: {  	s30 =	rddreg [dreg:$0x6];
	[sflag:s31] =	ssyncadd.s32 $0xFFFF8000  }
0xea: {  	[hbm4b:s30+s3] =	stream.linear.scatter [tilespmem:s26], [sflag:$0x2], $0x8000, $0x38;
	[tilespmem:$0x18080] =	vst v63  }
0xeb: {  	_ =	swait.ge [sflag:s31], $0x8000  }
0xec: {  	[sflag:s31] =	ssyncset.done $0x0  }
0xed: {  	s29 =	rddreg [dreg:$0x7];
	[sflag:s31] =	ssyncadd.s32 $0xFFFF8000  }
0xee: {  	[hbm4b:s29+s3] =	stream.linear.scatter [tilespmem:s28], [sflag:$0x2], $0x8000, $0x38;
	[tilespmem:$0x18080] =	vst v63  }
0xef: {  	_ =	swait.ge [sflag:s31], $0x8000  }
0xf0: {  	[sflag:s31] =	ssyncset.done $0x0  }
0xf1: {  	s30 =	rddreg [dreg:$0x8];
	[sflag:s31] =	ssyncadd.s32 $0xFFFF8000  }
0xf2: {  	[hbm4b:s30+s3] =	stream.linear.scatter [tilespmem:s10], [sflag:$0x2], $0x8000, $0x38;
	[tilespmem:$0x18080] =	vst v63  }
0xf3: {  	_ =	swait.ge [sflag:s1], $0x8000  }
0xf4: {  	[sflag:s1] =	ssyncset.done $0x0  }
0xf5: {  	[sflag:s1] =	ssyncadd.s32 $0xFFFF8000  }
0xf6: {  	p0 =	sne.s32 s8, $0x1;
	_ =	swait.ge [sflag:s1], $0x8000  }
.Ltmp0:
0xf7: {  	[sflag:s1] =	ssyncset.done $0x0;
	(pc) =	sbr.rel @p0 .LBB2_1-.Ltmp0, $4  }
0xf8: {  	[sflag:s1] =	ssyncadd.s32 $0xFFFF8000  }
0xf9: {  	_ =	swait.ge [sflag:s1], $0x8000  }
0xfa: {  	[sflag:s1] =	ssyncset.done $0x0  }
0xfb: {  	s8 =	sadd.s32 $0xFFFFFFFF, s8;
	[sflag:s1] =	ssyncadd.s32 $0xFFFF8000  }
0xfc: {  	_ =	sfence.sel $0x180000  }
0xfd: {  	[bflag:$0x0] =	sbarrier.arrive $0xFFFF  }
0xfe: {  	_ =	strace $0x90000047  }
0xff: {  	s0 =	stileid.u32;
	[bflag:$0x2] =	sbarrier.arrive $0xFFFF  }
0x100: {  	p0 =	sne.s32 s0, $0x0;
	s0 =	rddreg [dreg:$0x3]  }
0x101: {  	s0 =	sadd.s32 @!p0 $0x100000, s0  }
0x102: {  	[sflag:s0] =	ssyncadd.tile.s32 @!p0 $0x1;
	_ =	shalt  }
.Lfunc_end2:
_tile_overlayer_lowered:
.L_overlay_start_2:
0x103: {  	(tag) =	ssettag $0x2  }
0x104: {  	s0 =	rddreg [dreg:$0x0];
	s2 =	stileid.u32  }
0x105: {  	s1 =	rddreg [dreg:$0x1];
	p0 =	sne.s32 s2, $0x0  }
0x106: {  	s3 =	rddreg [dreg:$0x2];
	[bflag:$0x3] =	sbarrier.arrive $0xFFFF;
	s2 =	simm.s32 @!p0 $0x1C04  }
0x107: {  	[timem:s3], [sflag:s2] =	dma.local @!p0 [hbm:s0], s1  }
0x108: {  	s0 =	simm.s32 @!p0 $0x4  }
0x109: {  	_ =	swait.ge @!p0 [sflag:s0], s1  }
0x10a: {  	s1 =	ssub.s32 @!p0 $0x0, s1;
	[sflag:s0] =	ssyncset.done @!p0 $0x0  }
0x10b: {  	[sflag:s0] =	ssyncadd.s32 @!p0 s1  }
0x10c: {  	[bflag:$0x3] =	sbarrier.arrive $0xFFFF  }
0x10d: {  	_ =	shalt  }

</sc_bundles>
